<compile_context>
chip_gen: v7x
topology: tpu7x:2x2x1
jax: 0.10.2.dev20260603
libtpu: 0.0.44.dev20260713+nightly
codegen_flags: <defaults>
</compile_context>

<pallas_src>
import functools

import jax
import jax.numpy as jnp
from jax import lax
from jax.experimental import pallas as pl
from jax.experimental.pallas import tpu as pltpu
from jax.experimental.pallas import tpu_sc as plsc

NUM_CORES = 2
NUM_SUBCORES = 16
NUM_WORKERS = NUM_CORES * NUM_SUBCORES
LANES = 16
CHUNK = 128
NCHUNK = 4


@jax.jit
def kernel(hyperparameters, table):
    num_emb, em_size = table.shape
    batch = hyperparameters.shape[0]
    idx = jnp.squeeze(hyperparameters, axis=1).astype(jnp.int32)
    padded = jnp.pad(table, ((0, 0), (0, 128 - em_size)))
    b_per_w = batch // NUM_WORKERS
    assert b_per_w == CHUNK * NCHUNK

    mesh = plsc.VectorSubcoreMesh(core_axis_name="c", subcore_axis_name="s")

    @functools.partial(
        pl.kernel,
        mesh=mesh,
        out_type=jax.ShapeDtypeStruct((batch, 128), jnp.float32),
        scratch_types=[
            pltpu.VMEM((b_per_w,), jnp.int32),
            pltpu.VMEM((b_per_w, 128), jnp.float32),
            pltpu.SemaphoreType.DMA,
            pltpu.SemaphoreType.DMA,
            pltpu.SemaphoreType.DMA,
            pltpu.SemaphoreType.DMA,
            pltpu.SemaphoreType.DMA,
        ],
    )
    def emb_lookup(table_hbm, idx_hbm, out_hbm, idx_v, rows_v,
                   sem0, sem1, sem2, sem3, store_sem):
        wid = lax.axis_index("s") * NUM_CORES + lax.axis_index("c")
        base = wid * b_per_w
        gather_sems = [sem0, sem1, sem2, sem3]
        pltpu.sync_copy(idx_hbm.at[pl.ds(base, b_per_w)], idx_v)

        for chunk in range(NCHUNK):
            c0 = chunk * CHUNK

            @pl.loop(0, CHUNK, step=LANES)
            def _(k, c0=c0, sem=gather_sems[chunk]):
                v = idx_v[pl.ds(c0 + k, LANES)]
                pltpu.async_copy(
                    table_hbm.at[v], rows_v.at[pl.ds(c0 + k, LANES)], sem
                )

        for chunk in range(NCHUNK):
            c0 = chunk * CHUNK
            pltpu.make_async_copy(
                table_hbm.at[pl.ds(0, CHUNK)],
                rows_v.at[pl.ds(c0, CHUNK)],
                gather_sems[chunk],
            ).wait()
            pltpu.async_copy(
                rows_v.at[pl.ds(c0, CHUNK)],
                out_hbm.at[pl.ds(base + c0, CHUNK)],
                store_sem,
            )

        pltpu.make_async_copy(rows_v, out_hbm.at[pl.ds(0, b_per_w)],
                              store_sem).wait()

    return emb_lookup(padded, idx)[:, :em_size]

# --- scband reference (transcript-rebuilt; emitter-appended) ---
"""Pipeline reference for scband-style-emb-encoder-3693671875237 (READ-ONLY COPY).

The authoritative reference and input builder live on the scoring server;
editing this copy changes nothing except your own understanding.
"""

import jax, jax.numpy as jnp
import numpy as np

NUM_EMBEDDINGS = 100000
EM_SIZE = 64
BATCH = 16384

def setup_inputs(seed: int = 0) -> dict:
    key = jax.random.key(seed)
    k_idx, k_tab = jax.random.split(key)
    hyperparameters = jax.random.randint(k_idx, (BATCH, 1), 0, NUM_EMBEDDINGS, dtype=jnp.int64 if jax.config.read('jax_enable_x64') else jnp.int32)
    table = jax.random.normal(k_tab, (NUM_EMBEDDINGS, EM_SIZE), dtype=jnp.float32)
    return {"hyperparameters": hyperparameters, "table": table}

def reference(hyperparameters, table):
    # StyleEmbEncoder.forward: self.embedding(hyperparameters.squeeze(1))
    idx = jnp.squeeze(hyperparameters, axis=1)
    return jnp.take(table, idx, axis=0)

if __name__ == "__main__":
    import jax
    _d = setup_inputs()
    print(jax.jit(kernel)(*tuple(_d.values())))

</pallas_src>

<mosaic_0001>
#map = affine_map<(d0, d1) -> (0, 0)>
#map1 = affine_map<(d0, d1) -> (0)>
module attributes {stable_mosaic.version = 14 : i64} {
  func.func @emb_lookup(%arg0: i32, %arg1: i32, %arg2: memref<100000x128xf32, #tpu.memory_space<hbm>>, %arg3: memref<16384xi32, #tpu.memory_space<hbm>>, %arg4: memref<16384x128xf32, #tpu.memory_space<hbm>>, %arg5: memref<512xi32, #tpu.memory_space<vmem>>, %arg6: memref<512x128xf32, #tpu.memory_space<vmem>>, %arg7: memref<!tpu.dma_semaphore, #tpu.memory_space<semaphore_mem>>, %arg8: memref<!tpu.dma_semaphore, #tpu.memory_space<semaphore_mem>>, %arg9: memref<!tpu.dma_semaphore, #tpu.memory_space<semaphore_mem>>, %arg10: memref<!tpu.dma_semaphore, #tpu.memory_space<semaphore_mem>>, %arg11: memref<!tpu.dma_semaphore, #tpu.memory_space<semaphore_mem>>) attributes {dimension_semantics = [#tpu.dimension_semantics<core_parallel>, #tpu.dimension_semantics<subcore_parallel>], iteration_bounds = array<i64: 2, 16>, scalar_prefetch = 0 : i64, scratch_operands = 7 : i64, tpu.core_type = #tpu.core_type<sc_vector_subcore>, window_params = [{transform_indices = #map}, {transform_indices = #map1}, {transform_indices = #map}]} {
    %mul3A = arith.constant 2 : i32
    %mul3A_0 = arith.muli %arg1, %mul3A : i32
    %add3A = arith.addi %mul3A_0, %arg0 : i32
    %mul3A_1 = arith.constant 512 : i32
    %mul3A_2 = arith.muli %add3A, %mul3A_1 : i32
    "tpu.region"() ({
      %run_scoped3A = tpu.sem_alloc : memref<!tpu.dma_semaphore, #tpu.memory_space<semaphore_mem>>
      %dma_start3A_122 = tpu.memref_slice %arg3[%mul3A_2] : memref<16384xi32, #tpu.memory_space<hbm>> -> memref<512xi32, #tpu.memory_space<hbm>>
      %dma_start3A_123 = tpu.memref_slice %arg3[%mul3A_2] : memref<16384xi32, #tpu.memory_space<hbm>> -> memref<512xi32, #tpu.memory_space<hbm>>
      tpu.enqueue_dma source(%dma_start3A_123 : memref<512xi32, #tpu.memory_space<hbm>>) target(%arg5 : memref<512xi32, #tpu.memory_space<vmem>>) target_semaphore(%run_scoped3A : memref<!tpu.dma_semaphore, #tpu.memory_space<semaphore_mem>>)
      %dma_wait3A_124 = tpu.memref_slice %arg3[%mul3A_2] : memref<16384xi32, #tpu.memory_space<hbm>> -> memref<512xi32, #tpu.memory_space<hbm>>
      %dma_wait3A_125 = tpu.memref_slice %arg3[%mul3A_2] : memref<16384xi32, #tpu.memory_space<hbm>> -> memref<512xi32, #tpu.memory_space<hbm>>
      tpu.wait_dma2 semaphore(%run_scoped3A : memref<!tpu.dma_semaphore, #tpu.memory_space<semaphore_mem>>) src(%dma_wait3A_125 : memref<512xi32, #tpu.memory_space<hbm>>) dst(%arg5 : memref<512xi32, #tpu.memory_space<vmem>>)
      tpu.yield
    }) : () -> ()
    %scan3A = arith.constant 0 : i32
    %scan3A_3 = arith.constant 8 : i32
    %scan3A_4 = arith.addi %scan3A, %scan3A_3 : i32
    %scan3A_5 = arith.constant 1 : i32
    scf.for %scan3A_122 = %scan3A to %scan3A_4 step %scan3A_5  : i32 {
      %mul3A_123 = arith.constant 16 : i32
      %mul3A_124 = arith.muli %scan3A_122, %mul3A_123 : i32
      %add3A_125 = arith.constant 0 : i32
      %add3A_126 = arith.addi %add3A_125, %mul3A_124 : i32
      %add3A_127 = arith.constant 0 : i32
      %add3A_128 = arith.addi %add3A_127, %add3A_126 : i32
      %get3A = arith.index_cast %add3A_128 : i32 to index
      %get3A_129 = tpu.vector_load %arg5[%get3A] {strides = array<i32>} : memref<512xi32, #tpu.memory_space<vmem>>, vector<16xi32>,
      %get3A_130 = vector.shape_cast %get3A_129 : vector<16xi32> to vector<16xi32>
      %add3A_131 = arith.constant 0 : i32
      %add3A_132 = arith.addi %add3A_131, %add3A_126 : i32
      %dma_start3A_133 = arith.constant 0 : i32
      %dma_start3A_134 = tpu.memref_slice %arg6[%add3A_132, %dma_start3A_133] : memref<512x128xf32, #tpu.memory_space<vmem>> -> memref<16x128xf32, #tpu.memory_space<vmem>>
      %dma_start3A_135 = arith.constant 0 : i32
      %dma_start3A_136 = arith.constant 0 : i32
      %dma_start3A_137 = tpu.memref_slice %arg2[%dma_start3A_135, %dma_start3A_136] : memref<100000x128xf32, #tpu.memory_space<hbm>> -> memref<100000x128xf32, #tpu.memory_space<hbm>>
      tpu.enqueue_indirect_dma source(%dma_start3A_137 : memref<100000x128xf32, #tpu.memory_space<hbm>>) target(%dma_start3A_134 : memref<16x128xf32, #tpu.memory_space<vmem>>) offsets(%get3A_130 : vector<16xi32>) semaphore(%arg7 : memref<!tpu.dma_semaphore, #tpu.memory_space<semaphore_mem>>)
    }
    %scan3A_6 = arith.constant 8 : i32
    %scan3A_7 = arith.constant 0 : i32
    %scan3A_8 = arith.constant 8 : i32
    %scan3A_9 = arith.addi %scan3A_7, %scan3A_8 : i32
    %scan3A_10 = arith.constant 1 : i32
    scf.for %scan3A_122 = %scan3A_7 to %scan3A_9 step %scan3A_10  : i32 {
      %mul3A_123 = arith.constant 16 : i32
      %mul3A_124 = arith.muli %scan3A_122, %mul3A_123 : i32
      %add3A_125 = arith.constant 0 : i32
      %add3A_126 = arith.addi %add3A_125, %mul3A_124 : i32
      %add3A_127 = arith.constant 128 : i32
      %add3A_128 = arith.addi %add3A_127, %add3A_126 : i32
      %get3A = arith.index_cast %add3A_128 : i32 to index
      %get3A_129 = tpu.vector_load %arg5[%get3A] {strides = array<i32>} : memref<512xi32, #tpu.memory_space<vmem>>, vector<16xi32>,
      %get3A_130 = vector.shape_cast %get3A_129 : vector<16xi32> to vector<16xi32>
      %add3A_131 = arith.constant 128 : i32
      %add3A_132 = arith.addi %add3A_131, %add3A_126 : i32
      %dma_start3A_133 = arith.constant 0 : i32
      %dma_start3A_134 = tpu.memref_slice %arg6[%add3A_132, %dma_start3A_133] : memref<512x128xf32, #tpu.memory_space<vmem>> -> memref<16x128xf32, #tpu.memory_space<vmem>>
      %dma_start3A_135 = arith.constant 0 : i32
      %dma_start3A_136 = arith.constant 0 : i32
      %dma_start3A_137 = tpu.memref_slice %arg2[%dma_start3A_135, %dma_start3A_136] : memref<100000x128xf32, #tpu.memory_space<hbm>> -> memref<100000x128xf32, #tpu.memory_space<hbm>>
      tpu.enqueue_indirect_dma source(%dma_start3A_137 : memref<100000x128xf32, #tpu.memory_space<hbm>>) target(%dma_start3A_134 : memref<16x128xf32, #tpu.memory_space<vmem>>) offsets(%get3A_130 : vector<16xi32>) semaphore(%arg8 : memref<!tpu.dma_semaphore, #tpu.memory_space<semaphore_mem>>)
    }
    %scan3A_11 = arith.constant 8 : i32
    %scan3A_12 = arith.constant 0 : i32
    %scan3A_13 = arith.constant 8 : i32
    %scan3A_14 = arith.addi %scan3A_12, %scan3A_13 : i32
    %scan3A_15 = arith.constant 1 : i32
    scf.for %scan3A_122 = %scan3A_12 to %scan3A_14 step %scan3A_15  : i32 {
      %mul3A_123 = arith.constant 16 : i32
      %mul3A_124 = arith.muli %scan3A_122, %mul3A_123 : i32
      %add3A_125 = arith.constant 0 : i32
      %add3A_126 = arith.addi %add3A_125, %mul3A_124 : i32
      %add3A_127 = arith.constant 256 : i32
      %add3A_128 = arith.addi %add3A_127, %add3A_126 : i32
      %get3A = arith.index_cast %add3A_128 : i32 to index
      %get3A_129 = tpu.vector_load %arg5[%get3A] {strides = array<i32>} : memref<512xi32, #tpu.memory_space<vmem>>, vector<16xi32>,
      %get3A_130 = vector.shape_cast %get3A_129 : vector<16xi32> to vector<16xi32>
      %add3A_131 = arith.constant 256 : i32
      %add3A_132 = arith.addi %add3A_131, %add3A_126 : i32
      %dma_start3A_133 = arith.constant 0 : i32
      %dma_start3A_134 = tpu.memref_slice %arg6[%add3A_132, %dma_start3A_133] : memref<512x128xf32, #tpu.memory_space<vmem>> -> memref<16x128xf32, #tpu.memory_space<vmem>>
      %dma_start3A_135 = arith.constant 0 : i32
      %dma_start3A_136 = arith.constant 0 : i32
      %dma_start3A_137 = tpu.memref_slice %arg2[%dma_start3A_135, %dma_start3A_136] : memref<100000x128xf32, #tpu.memory_space<hbm>> -> memref<100000x128xf32, #tpu.memory_space<hbm>>
      tpu.enqueue_indirect_dma source(%dma_start3A_137 : memref<100000x128xf32, #tpu.memory_space<hbm>>) target(%dma_start3A_134 : memref<16x128xf32, #tpu.memory_space<vmem>>) offsets(%get3A_130 : vector<16xi32>) semaphore(%arg9 : memref<!tpu.dma_semaphore, #tpu.memory_space<semaphore_mem>>)
    }
    %scan3A_16 = arith.constant 8 : i32
    %scan3A_17 = arith.constant 0 : i32
    %scan3A_18 = arith.constant 8 : i32
    %scan3A_19 = arith.addi %scan3A_17, %scan3A_18 : i32
    %scan3A_20 = arith.constant 1 : i32
    scf.for %scan3A_122 = %scan3A_17 to %scan3A_19 step %scan3A_20  : i32 {
      %mul3A_123 = arith.constant 16 : i32
      %mul3A_124 = arith.muli %scan3A_122, %mul3A_123 : i32
      %add3A_125 = arith.constant 0 : i32
      %add3A_126 = arith.addi %add3A_125, %mul3A_124 : i32
      %add3A_127 = arith.constant 384 : i32
      %add3A_128 = arith.addi %add3A_127, %add3A_126 : i32
      %get3A = arith.index_cast %add3A_128 : i32 to index
      %get3A_129 = tpu.vector_load %arg5[%get3A] {strides = array<i32>} : memref<512xi32, #tpu.memory_space<vmem>>, vector<16xi32>,
      %get3A_130 = vector.shape_cast %get3A_129 : vector<16xi32> to vector<16xi32>
      %add3A_131 = arith.constant 384 : i32
      %add3A_132 = arith.addi %add3A_131, %add3A_126 : i32
      %dma_start3A_133 = arith.constant 0 : i32
      %dma_start3A_134 = tpu.memref_slice %arg6[%add3A_132, %dma_start3A_133] : memref<512x128xf32, #tpu.memory_space<vmem>> -> memref<16x128xf32, #tpu.memory_space<vmem>>
      %dma_start3A_135 = arith.constant 0 : i32
      %dma_start3A_136 = arith.constant 0 : i32
      %dma_start3A_137 = tpu.memref_slice %arg2[%dma_start3A_135, %dma_start3A_136] : memref<100000x128xf32, #tpu.memory_space<hbm>> -> memref<100000x128xf32, #tpu.memory_space<hbm>>
      tpu.enqueue_indirect_dma source(%dma_start3A_137 : memref<100000x128xf32, #tpu.memory_space<hbm>>) target(%dma_start3A_134 : memref<16x128xf32, #tpu.memory_space<vmem>>) offsets(%get3A_130 : vector<16xi32>) semaphore(%arg10 : memref<!tpu.dma_semaphore, #tpu.memory_space<semaphore_mem>>)
    }
    %scan3A_21 = arith.constant 8 : i32
    %dma_wait3A = arith.constant 0 : i32
    %dma_wait3A_22 = arith.constant 0 : i32
    %dma_wait3A_23 = tpu.memref_slice %arg6[%dma_wait3A, %dma_wait3A_22] : memref<512x128xf32, #tpu.memory_space<vmem>> -> memref<128x128xf32, #tpu.memory_space<vmem>>
    %dma_wait3A_24 = arith.constant 0 : i32
    %dma_wait3A_25 = arith.constant 0 : i32
    %dma_wait3A_26 = tpu.memref_slice %arg2[%dma_wait3A_24, %dma_wait3A_25] : memref<100000x128xf32, #tpu.memory_space<hbm>> -> memref<128x128xf32, #tpu.memory_space<hbm>>
    %dma_wait3A_27 = arith.constant 0 : i32
    %dma_wait3A_28 = arith.constant 0 : i32
    %dma_wait3A_29 = tpu.memref_slice %arg6[%dma_wait3A_27, %dma_wait3A_28] : memref<512x128xf32, #tpu.memory_space<vmem>> -> memref<128x128xf32, #tpu.memory_space<vmem>>
    %dma_wait3A_30 = arith.constant 0 : i32
    %dma_wait3A_31 = arith.constant 0 : i32
    %dma_wait3A_32 = tpu.memref_slice %arg2[%dma_wait3A_30, %dma_wait3A_31] : memref<100000x128xf32, #tpu.memory_space<hbm>> -> memref<128x128xf32, #tpu.memory_space<hbm>>
    tpu.wait_dma2 semaphore(%arg7 : memref<!tpu.dma_semaphore, #tpu.memory_space<semaphore_mem>>) src(%dma_wait3A_32 : memref<128x128xf32, #tpu.memory_space<hbm>>) dst(%dma_wait3A_29 : memref<128x128xf32, #tpu.memory_space<vmem>>)
    %add3A_33 = arith.constant 0 : i32
    %add3A_34 = arith.addi %mul3A_2, %add3A_33 : i32
    %dma_start3A = arith.constant 0 : i32
    %dma_start3A_35 = arith.constant 0 : i32
    %dma_start3A_36 = tpu.memref_slice %arg6[%dma_start3A, %dma_start3A_35] : memref<512x128xf32, #tpu.memory_space<vmem>> -> memref<128x128xf32, #tpu.memory_space<vmem>>
    %dma_start3A_37 = arith.constant 0 : i32
    %dma_start3A_38 = tpu.memref_slice %arg4[%add3A_34, %dma_start3A_37] : memref<16384x128xf32, #tpu.memory_space<hbm>> -> memref<128x128xf32, #tpu.memory_space<hbm>>
    %dma_start3A_39 = arith.constant 0 : i32
    %dma_start3A_40 = tpu.memref_slice %arg4[%add3A_34, %dma_start3A_39] : memref<16384x128xf32, #tpu.memory_space<hbm>> -> memref<128x128xf32, #tpu.memory_space<hbm>>
    %dma_start3A_41 = arith.constant 0 : i32
    %dma_start3A_42 = arith.constant 0 : i32
    %dma_start3A_43 = tpu.memref_slice %arg6[%dma_start3A_41, %dma_start3A_42] : memref<512x128xf32, #tpu.memory_space<vmem>> -> memref<128x128xf32, #tpu.memory_space<vmem>>
    tpu.enqueue_dma source(%dma_start3A_43 : memref<128x128xf32, #tpu.memory_space<vmem>>) target(%dma_start3A_40 : memref<128x128xf32, #tpu.memory_space<hbm>>) target_semaphore(%arg11 : memref<!tpu.dma_semaphore, #tpu.memory_space<semaphore_mem>>)
    %dma_wait3A_44 = arith.constant 128 : i32
    %dma_wait3A_45 = arith.constant 0 : i32
    %dma_wait3A_46 = tpu.memref_slice %arg6[%dma_wait3A_44, %dma_wait3A_45] : memref<512x128xf32, #tpu.memory_space<vmem>> -> memref<128x128xf32, #tpu.memory_space<vmem>>
    %dma_wait3A_47 = arith.constant 0 : i32
    %dma_wait3A_48 = arith.constant 0 : i32
    %dma_wait3A_49 = tpu.memref_slice %arg2[%dma_wait3A_47, %dma_wait3A_48] : memref<100000x128xf32, #tpu.memory_space<hbm>> -> memref<128x128xf32, #tpu.memory_space<hbm>>
    %dma_wait3A_50 = arith.constant 128 : i32
    %dma_wait3A_51 = arith.constant 0 : i32
    %dma_wait3A_52 = tpu.memref_slice %arg6[%dma_wait3A_50, %dma_wait3A_51] : memref<512x128xf32, #tpu.memory_space<vmem>> -> memref<128x128xf32, #tpu.memory_space<vmem>>
    %dma_wait3A_53 = arith.constant 0 : i32
    %dma_wait3A_54 = arith.constant 0 : i32
    %dma_wait3A_55 = tpu.memref_slice %arg2[%dma_wait3A_53, %dma_wait3A_54] : memref<100000x128xf32, #tpu.memory_space<hbm>> -> memref<128x128xf32, #tpu.memory_space<hbm>>
    tpu.wait_dma2 semaphore(%arg8 : memref<!tpu.dma_semaphore, #tpu.memory_space<semaphore_mem>>) src(%dma_wait3A_55 : memref<128x128xf32, #tpu.memory_space<hbm>>) dst(%dma_wait3A_52 : memref<128x128xf32, #tpu.memory_space<vmem>>)
    %add3A_56 = arith.constant 128 : i32
    %add3A_57 = arith.addi %mul3A_2, %add3A_56 : i32
    %dma_start3A_58 = arith.constant 128 : i32
    %dma_start3A_59 = arith.constant 0 : i32
    %dma_start3A_60 = tpu.memref_slice %arg6[%dma_start3A_58, %dma_start3A_59] : memref<512x128xf32, #tpu.memory_space<vmem>> -> memref<128x128xf32, #tpu.memory_space<vmem>>
    %dma_start3A_61 = arith.constant 0 : i32
    %dma_start3A_62 = tpu.memref_slice %arg4[%add3A_57, %dma_start3A_61] : memref<16384x128xf32, #tpu.memory_space<hbm>> -> memref<128x128xf32, #tpu.memory_space<hbm>>
    %dma_start3A_63 = arith.constant 0 : i32
    %dma_start3A_64 = tpu.memref_slice %arg4[%add3A_57, %dma_start3A_63] : memref<16384x128xf32, #tpu.memory_space<hbm>> -> memref<128x128xf32, #tpu.memory_space<hbm>>
    %dma_start3A_65 = arith.constant 128 : i32
    %dma_start3A_66 = arith.constant 0 : i32
    %dma_start3A_67 = tpu.memref_slice %arg6[%dma_start3A_65, %dma_start3A_66] : memref<512x128xf32, #tpu.memory_space<vmem>> -> memref<128x128xf32, #tpu.memory_space<vmem>>
    tpu.enqueue_dma source(%dma_start3A_67 : memref<128x128xf32, #tpu.memory_space<vmem>>) target(%dma_start3A_64 : memref<128x128xf32, #tpu.memory_space<hbm>>) target_semaphore(%arg11 : memref<!tpu.dma_semaphore, #tpu.memory_space<semaphore_mem>>)
    %dma_wait3A_68 = arith.constant 256 : i32
    %dma_wait3A_69 = arith.constant 0 : i32
    %dma_wait3A_70 = tpu.memref_slice %arg6[%dma_wait3A_68, %dma_wait3A_69] : memref<512x128xf32, #tpu.memory_space<vmem>> -> memref<128x128xf32, #tpu.memory_space<vmem>>
    %dma_wait3A_71 = arith.constant 0 : i32
    %dma_wait3A_72 = arith.constant 0 : i32
    %dma_wait3A_73 = tpu.memref_slice %arg2[%dma_wait3A_71, %dma_wait3A_72] : memref<100000x128xf32, #tpu.memory_space<hbm>> -> memref<128x128xf32, #tpu.memory_space<hbm>>
    %dma_wait3A_74 = arith.constant 256 : i32
    %dma_wait3A_75 = arith.constant 0 : i32
    %dma_wait3A_76 = tpu.memref_slice %arg6[%dma_wait3A_74, %dma_wait3A_75] : memref<512x128xf32, #tpu.memory_space<vmem>> -> memref<128x128xf32, #tpu.memory_space<vmem>>
    %dma_wait3A_77 = arith.constant 0 : i32
    %dma_wait3A_78 = arith.constant 0 : i32
    %dma_wait3A_79 = tpu.memref_slice %arg2[%dma_wait3A_77, %dma_wait3A_78] : memref<100000x128xf32, #tpu.memory_space<hbm>> -> memref<128x128xf32, #tpu.memory_space<hbm>>
    tpu.wait_dma2 semaphore(%arg9 : memref<!tpu.dma_semaphore, #tpu.memory_space<semaphore_mem>>) src(%dma_wait3A_79 : memref<128x128xf32, #tpu.memory_space<hbm>>) dst(%dma_wait3A_76 : memref<128x128xf32, #tpu.memory_space<vmem>>)
    %add3A_80 = arith.constant 256 : i32
    %add3A_81 = arith.addi %mul3A_2, %add3A_80 : i32
    %dma_start3A_82 = arith.constant 256 : i32
    %dma_start3A_83 = arith.constant 0 : i32
    %dma_start3A_84 = tpu.memref_slice %arg6[%dma_start3A_82, %dma_start3A_83] : memref<512x128xf32, #tpu.memory_space<vmem>> -> memref<128x128xf32, #tpu.memory_space<vmem>>
    %dma_start3A_85 = arith.constant 0 : i32
    %dma_start3A_86 = tpu.memref_slice %arg4[%add3A_81, %dma_start3A_85] : memref<16384x128xf32, #tpu.memory_space<hbm>> -> memref<128x128xf32, #tpu.memory_space<hbm>>
    %dma_start3A_87 = arith.constant 0 : i32
    %dma_start3A_88 = tpu.memref_slice %arg4[%add3A_81, %dma_start3A_87] : memref<16384x128xf32, #tpu.memory_space<hbm>> -> memref<128x128xf32, #tpu.memory_space<hbm>>
    %dma_start3A_89 = arith.constant 256 : i32
    %dma_start3A_90 = arith.constant 0 : i32
    %dma_start3A_91 = tpu.memref_slice %arg6[%dma_start3A_89, %dma_start3A_90] : memref<512x128xf32, #tpu.memory_space<vmem>> -> memref<128x128xf32, #tpu.memory_space<vmem>>
    tpu.enqueue_dma source(%dma_start3A_91 : memref<128x128xf32, #tpu.memory_space<vmem>>) target(%dma_start3A_88 : memref<128x128xf32, #tpu.memory_space<hbm>>) target_semaphore(%arg11 : memref<!tpu.dma_semaphore, #tpu.memory_space<semaphore_mem>>)
    %dma_wait3A_92 = arith.constant 384 : i32
    %dma_wait3A_93 = arith.constant 0 : i32
    %dma_wait3A_94 = tpu.memref_slice %arg6[%dma_wait3A_92, %dma_wait3A_93] : memref<512x128xf32, #tpu.memory_space<vmem>> -> memref<128x128xf32, #tpu.memory_space<vmem>>
    %dma_wait3A_95 = arith.constant 0 : i32
    %dma_wait3A_96 = arith.constant 0 : i32
    %dma_wait3A_97 = tpu.memref_slice %arg2[%dma_wait3A_95, %dma_wait3A_96] : memref<100000x128xf32, #tpu.memory_space<hbm>> -> memref<128x128xf32, #tpu.memory_space<hbm>>
    %dma_wait3A_98 = arith.constant 384 : i32
    %dma_wait3A_99 = arith.constant 0 : i32
    %dma_wait3A_100 = tpu.memref_slice %arg6[%dma_wait3A_98, %dma_wait3A_99] : memref<512x128xf32, #tpu.memory_space<vmem>> -> memref<128x128xf32, #tpu.memory_space<vmem>>
    %dma_wait3A_101 = arith.constant 0 : i32
    %dma_wait3A_102 = arith.constant 0 : i32
    %dma_wait3A_103 = tpu.memref_slice %arg2[%dma_wait3A_101, %dma_wait3A_102] : memref<100000x128xf32, #tpu.memory_space<hbm>> -> memref<128x128xf32, #tpu.memory_space<hbm>>
    tpu.wait_dma2 semaphore(%arg10 : memref<!tpu.dma_semaphore, #tpu.memory_space<semaphore_mem>>) src(%dma_wait3A_103 : memref<128x128xf32, #tpu.memory_space<hbm>>) dst(%dma_wait3A_100 : memref<128x128xf32, #tpu.memory_space<vmem>>)
    %add3A_104 = arith.constant 384 : i32
    %add3A_105 = arith.addi %mul3A_2, %add3A_104 : i32
    %dma_start3A_106 = arith.constant 384 : i32
    %dma_start3A_107 = arith.constant 0 : i32
    %dma_start3A_108 = tpu.memref_slice %arg6[%dma_start3A_106, %dma_start3A_107] : memref<512x128xf32, #tpu.memory_space<vmem>> -> memref<128x128xf32, #tpu.memory_space<vmem>>
    %dma_start3A_109 = arith.constant 0 : i32
    %dma_start3A_110 = tpu.memref_slice %arg4[%add3A_105, %dma_start3A_109] : memref<16384x128xf32, #tpu.memory_space<hbm>> -> memref<128x128xf32, #tpu.memory_space<hbm>>
    %dma_start3A_111 = arith.constant 0 : i32
    %dma_start3A_112 = tpu.memref_slice %arg4[%add3A_105, %dma_start3A_111] : memref<16384x128xf32, #tpu.memory_space<hbm>> -> memref<128x128xf32, #tpu.memory_space<hbm>>
    %dma_start3A_113 = arith.constant 384 : i32
    %dma_start3A_114 = arith.constant 0 : i32
    %dma_start3A_115 = tpu.memref_slice %arg6[%dma_start3A_113, %dma_start3A_114] : memref<512x128xf32, #tpu.memory_space<vmem>> -> memref<128x128xf32, #tpu.memory_space<vmem>>
    tpu.enqueue_dma source(%dma_start3A_115 : memref<128x128xf32, #tpu.memory_space<vmem>>) target(%dma_start3A_112 : memref<128x128xf32, #tpu.memory_space<hbm>>) target_semaphore(%arg11 : memref<!tpu.dma_semaphore, #tpu.memory_space<semaphore_mem>>)
    %dma_wait3A_116 = arith.constant 0 : i32
    %dma_wait3A_117 = arith.constant 0 : i32
    %dma_wait3A_118 = tpu.memref_slice %arg4[%dma_wait3A_116, %dma_wait3A_117] : memref<16384x128xf32, #tpu.memory_space<hbm>> -> memref<512x128xf32, #tpu.memory_space<hbm>>
    %dma_wait3A_119 = arith.constant 0 : i32
    %dma_wait3A_120 = arith.constant 0 : i32
    %dma_wait3A_121 = tpu.memref_slice %arg4[%dma_wait3A_119, %dma_wait3A_120] : memref<16384x128xf32, #tpu.memory_space<hbm>> -> memref<512x128xf32, #tpu.memory_space<hbm>>
    tpu.wait_dma2 semaphore(%arg11 : memref<!tpu.dma_semaphore, #tpu.memory_space<semaphore_mem>>) src(%arg6 : memref<512x128xf32, #tpu.memory_space<vmem>>) dst(%dma_wait3A_121 : memref<512x128xf32, #tpu.memory_space<hbm>>)
    return
  }
}

</mosaic_0001>

<sc_bundles>
// kernel: kernel.3.cloned.1.call-start
scs
__scs_entry_jumppad:
0x0: {  	(pc) =	sbr.rel $0x88, $3  }
0x1: {  	(tag) =	ssettag $0x0;
	lr =	simm.s32 $0x1  }
0x2: {  	[smem:$0x3F9F] =	sst lr;
	_ =	strace $0xD0000000  }
0x3: {  	_ = 	snop  }
0x4: {  	_ = 	snop  }
0x5: {  	_ = 	snop  }
0x6: {  	_ = 	snop  }
0x7: {  	_ = 	snop  }
__scs_overlays_trampoline_lowered:
0x8: {  	[smem:$0x3FAE] =	sst s0  }
0x9: {  	[smem:$0x3FAF] =	sst s1  }
0xa: {  	[smem:$0x3FB0] =	sst s2  }
0xb: {  	[smem:$0x3FB1] =	sst s3  }
0xc: {  	[smem:$0x3FB2] =	sst s4  }
0xd: {  	[smem:$0x3FB3] =	sst s5  }
0xe: {  	[smem:$0x3FB4] =	sst s6  }
0xf: {  	[smem:$0x3FB5] =	sst s7  }
0x10: {  	[smem:$0x3FB6] =	sst s8  }
0x11: {  	[smem:$0x3FB7] =	sst s9;
	s0 =	simm.s32 @!p0 $0x0  }
0x12: {  	s1 =	sld [smem:$0x3F9D];
	s0 =	simm.s32 @p0 $0x1  }
0x13: {  	[smem:$0x3FB8] =	sst s0;
	s0 =	simm.s32 @!p1 $0x0  }
0x14: {  	s2 =	sld [smem:$0x3F9C];
	s0 =	simm.s32 @p1 $0x1  }
0x15: {  	[smem:$0x3FB9] =	sst s0;
	s0 =	simm.s32 @!p2 $0x0  }
0x16: {  	s3 =	sld [smem:$0x3FDB];
	s0 =	simm.s32 @p2 $0x1  }
0x17: {  	s4 =	simm.s32 $0x1BF5;
	[smem:$0x3FBB] =	sst s0  }
0x18: {  	s0 =	sld [smem:$0x3F9E];
	_ =	swait.ge [sflag:s4], $0x0  }
0x19: {  	s7 =	sld [smem:$0x3F9F]  }
0x1a: {  	s8 =	sadd.s32 $0xFFFFE003, lr  }
0x1b: {  	s9 =	sadd.s32 $0xFFFFFEF7, lr;
	s5 =	simm.s32 $0xFFFFFFFF;
	p2 =	slt.u32 s8, $0xFFFFF086  }
0x1c: {  	p1 =	slt.u32 s9, $0xF7A;
	s5 =	simm.s32 @!p2 $0x0  }
0x1d: {  	s5 =	simm.s32 @p1 $0x1;
	p0 =	seq.s32 s7, s2  }
0x1e: {  	s7 =	smul.u32 @!p0 $0xF7A, s2;
	p2 =	seq.s32 @!p0 s5, $0x0  }
0x1f: {  	s9 =	smul.u32 $0xF7A, s1;
	s8 =	simm.s32 @!p0 $0x1BF5;
	p2 =	por !p2, p0  }
0x20: {  	[sflag:s8] =	ssyncset.s32 @!p0 $0xFFFFF086;
	s6 =	sadd.s32 @!p0 s3, s7;
	s7 =	simm.s32 @!p0 $0x108  }
0x21: {  	s3 =	sadd.s32 s3, s9;
	s6 =	sadd.s32 @!p0 $0x88, s6;
	s7 =	simm.s32 @p2 $0x1082  }
0x22: {  	[simem:s7], [sflag:s8] =	dma.local @!p0 [hbm:s6], $0xF7A  }
0x23: {  	s9 =	sor.u32 $0xD0000000, s2;
	s6 =	simm.s32 $0x108;
	_ =	swait.ge @!p0 [sflag:s8], $0x0  }
0x24: {  	s3 =	sadd.s32 $0x88, s3;
	s6 =	simm.s32 @!p1 $0x1082;
	[sflag:s4] =	ssyncset.s32 $0xFFFFF086  }
0x25: {  	[simem:s6], [sflag:s4] =	dma.local [hbm:s3], $0xF7A  }
0x26: {  	[smem:$0x3F9F] =	sst s1;
	(tag) =	ssettag s2;
	_ =	strace s9  }
0x27: {  	s1 =	sld [smem:$0x3FAF]  }
0x28: {  	s2 =	sld [smem:$0x3FB0]  }
0x29: {  	s4 =	sld [smem:$0x3FB2]  }
0x2a: {  	p0 =	seq.s32 s5, $0x0;
	s5 =	sld [smem:$0x3FB3]  }
0x2b: {  	s6 =	sld [smem:$0x3FB4]  }
0x2c: {  	s7 =	sld [smem:$0x3FB5]  }
0x2d: {  	s3 =	simm.s32 $0x108;
	s8 =	sld [smem:$0x3FB6]  }
0x2e: {  	s3 =	simm.s32 @!p0 $0x1082;
	s9 =	sld [smem:$0x3FB7]  }
0x2f: {  	lr =	sadd.s32 s0, s3;
	s0 =	sld [smem:$0x3FAE]  }
0x30: {  	s3 =	sld [smem:$0x3FB1]  }
0x31: {  	[smem:$0x3FBA] =	sst s10  }
0x32: {  	s10 =	sld [smem:$0x3FB8];
	_ =	sdelay $0x3  }
0x33: {  	p0 =	seq.s32 s10, $0x1;
	s10 =	sld [smem:$0x3FBA];
	_ =	sdelay $0x3  }
0x34: {  	[smem:$0x3FBA] =	sst s10  }
0x35: {  	s10 =	sld [smem:$0x3FB9];
	_ =	sdelay $0x3  }
0x36: {  	p1 =	seq.s32 s10, $0x1;
	s10 =	sld [smem:$0x3FBA];
	_ =	sdelay $0x3  }
0x37: {  	[smem:$0x3FBA] =	sst s10  }
0x38: {  	s10 =	sld [smem:$0x3FBB]  }
0x39: {  	_ = 	snop;
	(pc) =	sbr.ind lr, $3  }
0x3a: {  	_ = 	snop  }
0x3b: {  	_ = 	snop  }
0x3c: {  	p2 =	seq.s32 s10, $0x1;
	s10 =	sld [smem:$0x3FBA]  }
0x3d: {  	_ =	shalt  }
0x3e: {  	_ =	shalt  }
0x3f: {  	_ =	shalt  }
0x40: {  	_ =	shalt  }
0x41: {  	_ =	shalt  }
0x42: {  	_ =	shalt  }
0x43: {  	_ =	shalt  }
0x44: {  	_ =	shalt  }
0x45: {  	_ =	shalt  }
0x46: {  	_ =	shalt  }
0x47: {  	_ =	shalt  }
0x48: {  	_ =	shalt  }
0x49: {  	_ =	shalt  }
0x4a: {  	_ =	shalt  }
0x4b: {  	_ =	shalt  }
0x4c: {  	_ =	shalt  }
0x4d: {  	_ =	shalt  }
0x4e: {  	_ =	shalt  }
0x4f: {  	_ =	shalt  }
0x50: {  	_ =	shalt  }
0x51: {  	_ =	shalt  }
0x52: {  	_ =	shalt  }
0x53: {  	_ =	shalt  }
0x54: {  	_ =	shalt  }
0x55: {  	_ =	shalt  }
0x56: {  	_ =	shalt  }
0x57: {  	_ =	shalt  }
0x58: {  	_ =	shalt  }
0x59: {  	_ =	shalt  }
0x5a: {  	_ =	shalt  }
0x5b: {  	_ =	shalt  }
0x5c: {  	_ =	shalt  }
0x5d: {  	_ =	shalt  }
0x5e: {  	_ =	shalt  }
0x5f: {  	_ =	shalt  }
0x60: {  	_ =	shalt  }
0x61: {  	_ =	shalt  }
0x62: {  	_ =	shalt  }
0x63: {  	_ =	shalt  }
0x64: {  	_ =	shalt  }
0x65: {  	_ =	shalt  }
0x66: {  	_ =	shalt  }
0x67: {  	_ =	shalt  }
0x68: {  	_ =	shalt  }
0x69: {  	_ =	shalt  }
0x6a: {  	_ =	shalt  }
0x6b: {  	_ =	shalt  }
0x6c: {  	_ =	shalt  }
0x6d: {  	_ =	shalt  }
0x6e: {  	_ =	shalt  }
0x6f: {  	_ =	shalt  }
0x70: {  	_ =	shalt  }
0x71: {  	_ =	shalt  }
0x72: {  	_ =	shalt  }
0x73: {  	_ =	shalt  }
0x74: {  	_ =	shalt  }
0x75: {  	_ =	shalt  }
0x76: {  	_ =	shalt  }
0x77: {  	_ =	shalt  }
0x78: {  	_ =	shalt  }
0x79: {  	_ =	shalt  }
0x7a: {  	_ =	shalt  }
0x7b: {  	_ =	shalt  }
0x7c: {  	_ =	shalt  }
0x7d: {  	_ =	shalt  }
0x7e: {  	_ =	shalt  }
0x7f: {  	_ =	shalt  }
0x80: {  	_ =	shalt  }
0x81: {  	_ =	shalt  }
0x82: {  	_ =	shalt  }
0x83: {  	_ =	shalt  }
0x84: {  	_ =	shalt  }
0x85: {  	_ =	shalt  }
0x86: {  	_ =	shalt  }
0x87: {  	_ =	shalt  }
.Lfunc_end0:
.L_simem_size_0:
called_computation_lowered:
.L_overlay_start_0:
0x88: {  	s2 =	sld [smem:$0x3FD9]  }
0x89: {  	s3 =	sld [smem:$0x3FFE];
	_ =	sdelay $0x1  }
0x8a: {  	s1 =	srdreg.scid  }
0x8b: {  	s0 =	sand.u32 $0x1, s1  }
0x8c: {  	s17 =	sshll.u32 s0, $0xA;
	s2 =	sadd.s32 s3, s2  }
0x8d: {  	s2 =	sadd.s32 s2, s17  }
0x8e: {  	[smem:$0x3FC6] =	sst s2  }
0x8f: {  	_ = 	snop  }
0x90: {  	s2 =	sld [smem:$0x3FC9];
	(tm) =	ssettm $0x1  }
0x91: {  	s18 =	sld [smem:$0x3FFB];
	_ =	sdelay $0x3  }
0x92: {  	_ =	strace s18  }
0x93: {  	s3 =	sld [smem:$0x3FFC];
	_ =	sdelay $0x3  }
0x94: {  	_ =	strace s3  }
0x95: {  	s3 =	sld [smem:$0x3FFD];
	_ =	sdelay $0x3  }
0x96: {  	_ =	strace s3  }
0x97: {  	_ =	strace $0x8FFFFFFF  }
0x98: {  	s19 =	sld [smem:$0x3FDB];
	_ =	sdelay $0x1  }
0x99: {  	s4 =	simm.s32 $_scs_section_size  }
0x9a: {  	s5 =	simm.s32 $_size__tile_overlayer_lowered;
	s6 =	simm.s32 $_tile_overlayer_lowered  }
0x9b: {  	s22 =	simm.s32 $0x1BFF;
	s21 =	sshll.u32 s6, $0x1;
	s3 =	sadd.s32 s4, s19  }
0x9c: {  	s7 =	simm.s32 $0x0;
	s20 =	sshll.u32 s5, $0x1;
	s5 =	sadd.s32 s21, s3  }
0x9d: {  	[timem:s7], [sflag:s22] =	dma.local [hbm:s5], s20  }
0x9e: {  	_ =	swait.ge [sflag:s22], s20  }
0x9f: {  	s4 =	ssub.s32 $0x0, s20;
	[sflag:s22] =	ssyncset.done $0x0  }
0xa0: {  	[sflag:s22] =	ssyncadd.s32 s4;
	_ =	sdelay $0x1  }
0xa1: {  	s23 =	simm.s32 $0x1B8B  }
0xa2: {  	_ =	swait.ge [sflag:s23], $0x1  }
0xa3: {  	[sflag:s23] =	ssyncset.done $0x0  }
0xa4: {  	s25 =	simm.s32 $0x1B8E;
	s24 =	sld [smem:$0x3FFE];
	[sflag:s23] =	ssyncadd.s32 $0xFFFFFFFF  }
0xa5: {  	s26 =	simm.s32 $execute0_lowered;
	[smem:$0x3FD2] =	sst s25  }
0xa6: {  	s5 =	sshll.u32 s26, $0x1;
	_ =	strace $0x80000046;
	[dreg:$0x1] =	wrdreg $0xFFFFFFFF  }
0xa7: {  	s28 =	simm.s32 $_size_execute0_lowered;
	s3 =	sadd.s32 s3, s5;
	[dreg:$0x0] =	wrdreg $0x0  }
0xa8: {  	s5 =	sshll.u32 s28, $0x1;
	[dreg:$0x2] =	wrdreg s3  }
0xa9: {  	[dreg:$0x3] =	wrdreg s5  }
0xaa: {  	[dreg:$0x4] =	wrdreg $0xC0  }
0xab: {  	_ =	task [dreg:s7], $0x5FFFF  }
0xac: {  	[dreg:$0x1] =	wrdreg $0xFFFFFFFF  }
0xad: {  	[dreg:$0x0] =	wrdreg $0x60  }
0xae: {  	[dreg:$0x2] =	wrdreg s24  }
0xaf: {  	[dreg:$0x3] =	wrdreg s2  }
0xb0: {  	[dreg:$0x4] =	wrdreg $0x9  }
0xb1: {  	_ =	task.clear_ibuf [dreg:s7], $0x5FFFF;
	_ =	strace $0x90000046  }
0xb2: {  	s29 =	simm.s32 $0x9;
	_ =	strace $0x80000048  }
0xb3: {  	_ =	swait.ge [sflag:s29], $0x1  }
0xb4: {  	[sflag:s29] =	ssyncadd.s32 $0xFFFFFFFF  }
0xb5: {  	_ =	strace $0x90000048  }
0xb6: {  	_ =	sfence  }
0xb7: {  	s30 =	sld [smem:$0x0];
	_ =	sdelay $0x2  }
0xb8: {  	s31 =	sshll.u32 s1, $0xD;
	s1 =	sshrl.u32 s1, $0x2  }
0xb9: {  	s3 =	sand.u32 $0x4000, s31;
	s1 =	sadd.s32 s1, s30  }
0xba: {  	s0 =	sor.u32 s3, s0;
	s1 =	sshll.u32 s1, $0x11  }
0xbb: {  	s0 =	sor.u32 s1, s0  }
0xbc: {  	s0 =	sadd.s32 $0x8F2B, s0  }
0xbd: {  	[sflag:s0] =	ssyncadd.remote.s32 $0x1  }
0xbe: {  	_ =	sfence.sel $0xFFFF  }
0xbf: {  	[dreg:$0x0] =	wrdreg $0xFFFFFFFF;
	(pc) =	sbr.abs _section_cstart, $3  }
0xc0: {  	[dreg:$0x1] =	wrdreg $0xFFFFFFFF  }
0xc1: {  	_ =	task.clear_ibuf [dreg:s7], $0x2FFFF;
	_ =	strace $0x9FFFFFFF  }
0xc2: {  	(tm) =	ssettm $0x7FFFFFFF  }
0xc3: {  	_ =	shalt  }
tec
execute0_lowered:
.L_overlay_start_1:
0x0: {  	(tag) =	ssettag $0x1  }
0x1: {  	s1 =	srdreg.scid  }
0x2: {  	s3 =	rddreg [dreg:$0x0];
	s0 =	stileid.u32  }
0x3: {  	s4 =	rddreg [dreg:$0x1];
	s2 =	simm.s32 $0x0;
	s15 =	simm.s32 $0xA00  }
0x4: {  	s16 =	simm.s32 $0x1200;
	s17 =	simm.s32 $0x1A00;
	[smem:$0x7FF] =	sst s2  }
0x5: {  	s18 =	simm.s32 $0x2200;
	_ =	strace $0x80000047;
	[dreg:$0x8] =	wrdreg s15  }
0x6: {  	s19 =	simm.s32 $0x2A00;
	s20 =	simm.s32 $0x3200;
	[dreg:$0x9] =	wrdreg s16  }
0x7: {  	s21 =	simm.s32 $0x3A00;
	s23 =	simm.s32 $0x4A00;
	[dreg:$0xa] =	wrdreg s17  }
0x8: {  	s24 =	simm.s32 $0x5200;
	s25 =	simm.s32 $0x5A00;
	[dreg:$0xb] =	wrdreg s18  }
0x9: {  	s26 =	simm.s32 $0x6200;
	s7 =	simm.s32 $0x4200;
	[dreg:$0xc] =	wrdreg s19  }
0xa: {  	s8 =	simm.s32 $0x6A00;
	s9 =	simm.s32 $0x7200;
	[dreg:$0xd] =	wrdreg s20  }
0xb: {  	s10 =	simm.s32 $0x7A00;
	s28 =	simm.s32 $0x1;
	[dreg:$0xe] =	wrdreg s21  }
0xc: {  	s29 =	simm.s32 $0x2;
	s30 =	simm.s32 $0x3;
	[dreg:$0xf] =	wrdreg s23  }
0xd: {  	s31 =	simm.s32 $0x4;
	s1 =	sand.u32 $0x1, s1;
	[dreg:$0x10] =	wrdreg s24  }
0xe: {  	s5 =	sshll.u32 s0, $0xA;
	s6 =	sshll.u32 s1, $0x9;
	[dreg:$0x11] =	wrdreg s25  }
0xf: {  	s1 =	ssub.s32 $0x2, s1;
	[dreg:$0x12] =	wrdreg s26;
	s15 =	simm.s32 $0xA200  }
0x10: {  	s16 =	simm.s32 $0xAA00;
	s17 =	simm.s32 $0xB200;
	s18 =	simm.s32 $0xBA00  }
0x11: {  	s19 =	simm.s32 $0xC200;
	s20 =	simm.s32 $0xCA00;
	s21 =	simm.s32 $0xD200  }
0x12: {  	s23 =	simm.s32 $0xE200;
	s24 =	simm.s32 $0xEA00;
	s25 =	simm.s32 $0xF200  }
0x13: {  	s26 =	simm.s32 $0xFA00;
	s5 =	sor.u32 s6, s5;
	s22 =	sshrl.u32 s1, $0x1  }
0x14: {  	s6 =	sshll.u32 s5, $0x4;
	s5 =	sshrl.u32 s5, $0x3;
	s1 =	ssub.s32 s1, s22  }
0x15: {  	s22 =	simm.s32 $0xDA00;
	s6 =	sadd.s32 s6, s3;
	s4 =	sadd.s32 s4, s5  }
0x16: {  	s3 =	sadd.s32 $0x186E00, s3;
	[dreg:$0x3] =	wrdreg s4;
	s11 =	sadd.s32 $0x400, s6  }
0x17: {  	s5 =	simm.s32 $0x6;
	s12 =	sadd.s32 $0xC00, s6;
	[dreg:$0x4] =	wrdreg s11  }
0x18: {  	s13 =	sadd.s32 $0x1400, s6;
	s14 =	sadd.s32 $0x1C00, s6;
	[dreg:$0x5] =	wrdreg s12  }
0x19: {  	s4 =	smax.u32 s1, $0x1;
	s6 =	simm.s32 $0x200;
	[dreg:$0x6] =	wrdreg s13  }
0x1a: {  	s1 =	simm.s32 $0x5;
	[dreg:$0x7] =	wrdreg s14;
	s11 =	simm.s32 $0x8200  }
0x1b: {  	vm0 =	vmmov $0xffff;
	s12 =	simm.s32 $0x8A00;
	s13 =	simm.s32 $0x9200;
	s14 =	simm.s32 $0x9A00  }
.LBB2_1:
0x1c: {  	s0 =	rddreg [dreg:$0x3]  }
0x1d: {  	[tilespmem:s2], [sflag:$0x6] =	stream.linear.gather [hbm4b:s0+s2], $0x200, $0x38;
	[tilespmem:$0x10200] =	vst v63  }
0x1e: {  	_ =	swait.ge [sflag:s5], $0x200  }
0x1f: {  	[sflag:s5] =	ssyncset.done $0x0  }
0x20: {  	[sflag:s5] =	ssyncadd.s32 $0xFFFFFE00  }
0x21: {  	v0 =	vld [tilespmem:$0x0];
	_ =	sdelay $0x7  }
0x22: {  	[tilespmem:s6], [sflag:$0x1] =	stream.indirect_vreg.gather [hbm4b:s3+s2], $0x80, v0, vm0, $0xb8;
	[tilespmem:$0x10200] =	vst v63  }
0x23: {  	v0 =	vld [tilespmem:$0x10];
	_ =	sdelay $0x6  }
0x24: {  	s0 =	rddreg [dreg:$0x8]  }
0x25: {  	[tilespmem:s0], [sflag:$0x1] =	stream.indirect_vreg.gather [hbm4b:s3+s2], $0x80, v0, vm0, $0xb8;
	[tilespmem:$0x10200] =	vst v63  }
0x26: {  	v0 =	vld [tilespmem:$0x20];
	_ =	sdelay $0x6  }
0x27: {  	s0 =	rddreg [dreg:$0x9]  }
0x28: {  	[tilespmem:s0], [sflag:$0x1] =	stream.indirect_vreg.gather [hbm4b:s3+s2], $0x80, v0, vm0, $0xb8;
	[tilespmem:$0x10200] =	vst v63  }
0x29: {  	v0 =	vld [tilespmem:$0x30];
	_ =	sdelay $0x6  }
0x2a: {  	s0 =	rddreg [dreg:$0xa]  }
0x2b: {  	[tilespmem:s0], [sflag:$0x1] =	stream.indirect_vreg.gather [hbm4b:s3+s2], $0x80, v0, vm0, $0xb8;
	[tilespmem:$0x10200] =	vst v63  }
0x2c: {  	v0 =	vld [tilespmem:$0x40];
	_ =	sdelay $0x6  }
0x2d: {  	s0 =	rddreg [dreg:$0xb]  }
0x2e: {  	[tilespmem:s0], [sflag:$0x1] =	stream.indirect_vreg.gather [hbm4b:s3+s2], $0x80, v0, vm0, $0xb8;
	[tilespmem:$0x10200] =	vst v63  }
0x2f: {  	v0 =	vld [tilespmem:$0x50];
	_ =	sdelay $0x6  }
0x30: {  	s0 =	rddreg [dreg:$0xc]  }
0x31: {  	[tilespmem:s0], [sflag:$0x1] =	stream.indirect_vreg.gather [hbm4b:s3+s2], $0x80, v0, vm0, $0xb8;
	[tilespmem:$0x10200] =	vst v63  }
0x32: {  	v0 =	vld [tilespmem:$0x60];
	_ =	sdelay $0x6  }
0x33: {  	s0 =	rddreg [dreg:$0xd]  }
0x34: {  	[tilespmem:s0], [sflag:$0x1] =	stream.indirect_vreg.gather [hbm4b:s3+s2], $0x80, v0, vm0, $0xb8;
	[tilespmem:$0x10200] =	vst v63  }
0x35: {  	v0 =	vld [tilespmem:$0x70];
	_ =	sdelay $0x6  }
0x36: {  	s0 =	rddreg [dreg:$0xe]  }
0x37: {  	[tilespmem:s0], [sflag:$0x1] =	stream.indirect_vreg.gather [hbm4b:s3+s2], $0x80, v0, vm0, $0xb8;
	[tilespmem:$0x10200] =	vst v63  }
0x38: {  	v0 =	vld [tilespmem:$0x80];
	_ =	sdelay $0x7  }
0x39: {  	[tilespmem:s7], [sflag:$0x2] =	stream.indirect_vreg.gather [hbm4b:s3+s2], $0x80, v0, vm0, $0xb8;
	[tilespmem:$0x10200] =	vst v63  }
0x3a: {  	v0 =	vld [tilespmem:$0x90];
	_ =	sdelay $0x6  }
0x3b: {  	s0 =	rddreg [dreg:$0xf]  }
0x3c: {  	[tilespmem:s0], [sflag:$0x2] =	stream.indirect_vreg.gather [hbm4b:s3+s2], $0x80, v0, vm0, $0xb8;
	[tilespmem:$0x10200] =	vst v63  }
0x3d: {  	v0 =	vld [tilespmem:$0xA0];
	_ =	sdelay $0x6  }
0x3e: {  	s0 =	rddreg [dreg:$0x10]  }
0x3f: {  	[tilespmem:s0], [sflag:$0x2] =	stream.indirect_vreg.gather [hbm4b:s3+s2], $0x80, v0, vm0, $0xb8;
	[tilespmem:$0x10200] =	vst v63  }
0x40: {  	v0 =	vld [tilespmem:$0xB0];
	_ =	sdelay $0x6  }
0x41: {  	s0 =	rddreg [dreg:$0x11]  }
0x42: {  	[tilespmem:s0], [sflag:$0x2] =	stream.indirect_vreg.gather [hbm4b:s3+s2], $0x80, v0, vm0, $0xb8;
	[tilespmem:$0x10200] =	vst v63  }
0x43: {  	v0 =	vld [tilespmem:$0xC0];
	_ =	sdelay $0x6  }
0x44: {  	s0 =	rddreg [dreg:$0x12]  }
0x45: {  	[tilespmem:s0], [sflag:$0x2] =	stream.indirect_vreg.gather [hbm4b:s3+s2], $0x80, v0, vm0, $0xb8;
	[tilespmem:$0x10200] =	vst v63  }
0x46: {  	v0 =	vld [tilespmem:$0xD0];
	_ =	sdelay $0x7  }
0x47: {  	[tilespmem:s8], [sflag:$0x2] =	stream.indirect_vreg.gather [hbm4b:s3+s2], $0x80, v0, vm0, $0xb8;
	[tilespmem:$0x10200] =	vst v63  }
0x48: {  	v0 =	vld [tilespmem:$0xE0];
	_ =	sdelay $0x7  }
0x49: {  	[tilespmem:s9], [sflag:$0x2] =	stream.indirect_vreg.gather [hbm4b:s3+s2], $0x80, v0, vm0, $0xb8;
	[tilespmem:$0x10200] =	vst v63  }
0x4a: {  	v0 =	vld [tilespmem:$0xF0];
	_ =	sdelay $0x7  }
0x4b: {  	[tilespmem:s10], [sflag:$0x2] =	stream.indirect_vreg.gather [hbm4b:s3+s2], $0x80, v0, vm0, $0xb8;
	[tilespmem:$0x10200] =	vst v63  }
0x4c: {  	v0 =	vld [tilespmem:$0x100];
	_ =	sdelay $0x7  }
0x4d: {  	[tilespmem:s11], [sflag:$0x3] =	stream.indirect_vreg.gather [hbm4b:s3+s2], $0x80, v0, vm0, $0xb8;
	[tilespmem:$0x10200] =	vst v63  }
0x4e: {  	v0 =	vld [tilespmem:$0x110];
	_ =	sdelay $0x7  }
0x4f: {  	[tilespmem:s12], [sflag:$0x3] =	stream.indirect_vreg.gather [hbm4b:s3+s2], $0x80, v0, vm0, $0xb8;
	[tilespmem:$0x10200] =	vst v63  }
0x50: {  	v0 =	vld [tilespmem:$0x120];
	_ =	sdelay $0x7  }
0x51: {  	[tilespmem:s13], [sflag:$0x3] =	stream.indirect_vreg.gather [hbm4b:s3+s2], $0x80, v0, vm0, $0xb8;
	[tilespmem:$0x10200] =	vst v63  }
0x52: {  	v0 =	vld [tilespmem:$0x130];
	_ =	sdelay $0x7  }
0x53: {  	[tilespmem:s14], [sflag:$0x3] =	stream.indirect_vreg.gather [hbm4b:s3+s2], $0x80, v0, vm0, $0xb8;
	[tilespmem:$0x10200] =	vst v63  }
0x54: {  	v0 =	vld [tilespmem:$0x140];
	_ =	sdelay $0x7  }
0x55: {  	[tilespmem:s15], [sflag:$0x3] =	stream.indirect_vreg.gather [hbm4b:s3+s2], $0x80, v0, vm0, $0xb8;
	[tilespmem:$0x10200] =	vst v63  }
0x56: {  	v0 =	vld [tilespmem:$0x150];
	_ =	sdelay $0x7  }
0x57: {  	[tilespmem:s16], [sflag:$0x3] =	stream.indirect_vreg.gather [hbm4b:s3+s2], $0x80, v0, vm0, $0xb8;
	[tilespmem:$0x10200] =	vst v63  }
0x58: {  	v0 =	vld [tilespmem:$0x160];
	_ =	sdelay $0x7  }
0x59: {  	[tilespmem:s17], [sflag:$0x3] =	stream.indirect_vreg.gather [hbm4b:s3+s2], $0x80, v0, vm0, $0xb8;
	[tilespmem:$0x10200] =	vst v63  }
0x5a: {  	v0 =	vld [tilespmem:$0x170];
	_ =	sdelay $0x7  }
0x5b: {  	[tilespmem:s18], [sflag:$0x3] =	stream.indirect_vreg.gather [hbm4b:s3+s2], $0x80, v0, vm0, $0xb8;
	[tilespmem:$0x10200] =	vst v63  }
0x5c: {  	v0 =	vld [tilespmem:$0x180];
	_ =	sdelay $0x7  }
0x5d: {  	[tilespmem:s19], [sflag:$0x4] =	stream.indirect_vreg.gather [hbm4b:s3+s2], $0x80, v0, vm0, $0xb8;
	[tilespmem:$0x10200] =	vst v63  }
0x5e: {  	v0 =	vld [tilespmem:$0x190];
	_ =	sdelay $0x7  }
0x5f: {  	[tilespmem:s20], [sflag:$0x4] =	stream.indirect_vreg.gather [hbm4b:s3+s2], $0x80, v0, vm0, $0xb8;
	[tilespmem:$0x10200] =	vst v63  }
0x60: {  	v0 =	vld [tilespmem:$0x1A0];
	_ =	sdelay $0x7  }
0x61: {  	[tilespmem:s21], [sflag:$0x4] =	stream.indirect_vreg.gather [hbm4b:s3+s2], $0x80, v0, vm0, $0xb8;
	[tilespmem:$0x10200] =	vst v63  }
0x62: {  	v0 =	vld [tilespmem:$0x1B0];
	_ =	sdelay $0x7  }
0x63: {  	[tilespmem:s22], [sflag:$0x4] =	stream.indirect_vreg.gather [hbm4b:s3+s2], $0x80, v0, vm0, $0xb8;
	[tilespmem:$0x10200] =	vst v63  }
0x64: {  	v0 =	vld [tilespmem:$0x1C0];
	_ =	sdelay $0x7  }
0x65: {  	[tilespmem:s23], [sflag:$0x4] =	stream.indirect_vreg.gather [hbm4b:s3+s2], $0x80, v0, vm0, $0xb8;
	[tilespmem:$0x10200] =	vst v63  }
0x66: {  	v0 =	vld [tilespmem:$0x1D0];
	_ =	sdelay $0x7  }
0x67: {  	[tilespmem:s24], [sflag:$0x4] =	stream.indirect_vreg.gather [hbm4b:s3+s2], $0x80, v0, vm0, $0xb8;
	[tilespmem:$0x10200] =	vst v63  }
0x68: {  	v0 =	vld [tilespmem:$0x1E0];
	_ =	sdelay $0x7  }
0x69: {  	[tilespmem:s25], [sflag:$0x4] =	stream.indirect_vreg.gather [hbm4b:s3+s2], $0x80, v0, vm0, $0xb8;
	[tilespmem:$0x10200] =	vst v63  }
0x6a: {  	v0 =	vld [tilespmem:$0x1F0];
	_ =	sdelay $0x7  }
0x6b: {  	[tilespmem:s26], [sflag:$0x4] =	stream.indirect_vreg.gather [hbm4b:s3+s2], $0x80, v0, vm0, $0xb8;
	[tilespmem:$0x10200] =	vst v63  }
0x6c: {  	_ =	swait.ge [sflag:s28], $0x4000  }
0x6d: {  	[sflag:s28] =	ssyncset.done $0x0  }
0x6e: {  	s0 =	rddreg [dreg:$0x4];
	[sflag:s28] =	ssyncadd.s32 $0xFFFFC000  }
0x6f: {  	[hbm4b:s0+s2] =	stream.linear.scatter [tilespmem:s6], [sflag:$0x5], $0x4000, $0x38;
	[tilespmem:$0x10200] =	vst v63  }
0x70: {  	_ =	swait.ge [sflag:s29], $0x4000  }
0x71: {  	[sflag:s29] =	ssyncset.done $0x0  }
0x72: {  	s0 =	rddreg [dreg:$0x5];
	[sflag:s29] =	ssyncadd.s32 $0xFFFFC000  }
0x73: {  	[hbm4b:s0+s2] =	stream.linear.scatter [tilespmem:s7], [sflag:$0x5], $0x4000, $0x38;
	[tilespmem:$0x10200] =	vst v63  }
0x74: {  	_ =	swait.ge [sflag:s30], $0x4000  }
0x75: {  	[sflag:s30] =	ssyncset.done $0x0  }
0x76: {  	s0 =	rddreg [dreg:$0x6];
	[sflag:s30] =	ssyncadd.s32 $0xFFFFC000  }
0x77: {  	[hbm4b:s0+s2] =	stream.linear.scatter [tilespmem:s11], [sflag:$0x5], $0x4000, $0x38;
	[tilespmem:$0x10200] =	vst v63  }
0x78: {  	_ =	swait.ge [sflag:s31], $0x4000  }
0x79: {  	p0 =	sne.s32 s4, $0x1;
	[sflag:s31] =	ssyncset.done $0x0  }
.Ltmp0:
0x7a: {  	s0 =	rddreg [dreg:$0x7];
	[sflag:s31] =	ssyncadd.s32 $0xFFFFC000;
	(pc) =	sbr.rel @p0 .LBB2_1-.Ltmp0, $4  }
0x7b: {  	[hbm4b:s0+s2] =	stream.linear.scatter [tilespmem:s19], [sflag:$0x5], $0x4000, $0x38;
	[tilespmem:$0x10200] =	vst v63  }
0x7c: {  	_ =	swait.ge [sflag:s1], $0x10000  }
0x7d: {  	[sflag:s1] =	ssyncset.done $0x0  }
0x7e: {  	s4 =	sadd.s32 $0xFFFFFFFF, s4;
	[sflag:s1] =	ssyncadd.s32 $0xFFFF0000  }
0x7f: {  	_ =	sfence.sel $0x180000  }
0x80: {  	[bflag:$0x0] =	sbarrier.arrive $0xFFFF  }
0x81: {  	_ =	strace $0x90000047  }
0x82: {  	s0 =	stileid.u32;
	[bflag:$0x2] =	sbarrier.arrive $0xFFFF  }
0x83: {  	p0 =	sne.s32 s0, $0x0;
	s0 =	rddreg [dreg:$0x2]  }
0x84: {  	s0 =	sadd.s32 @!p0 $0x100000, s0  }
0x85: {  	[sflag:s0] =	ssyncadd.tile.s32 @!p0 $0x1;
	_ =	shalt  }
.Lfunc_end2:
_tile_overlayer_lowered:
.L_overlay_start_2:
0x86: {  	(tag) =	ssettag $0x2  }
0x87: {  	s0 =	rddreg [dreg:$0x0];
	s2 =	stileid.u32  }
0x88: {  	s1 =	rddreg [dreg:$0x1];
	p0 =	sne.s32 s2, $0x0  }
0x89: {  	s3 =	rddreg [dreg:$0x2];
	[bflag:$0x3] =	sbarrier.arrive $0xFFFF;
	s2 =	simm.s32 @!p0 $0x1C06  }
0x8a: {  	[timem:s3], [sflag:s2] =	dma.local @!p0 [hbm:s0], s1  }
0x8b: {  	s0 =	simm.s32 @!p0 $0x6  }
0x8c: {  	_ =	swait.ge @!p0 [sflag:s0], s1  }
0x8d: {  	s1 =	ssub.s32 @!p0 $0x0, s1;
	[sflag:s0] =	ssyncset.done @!p0 $0x0  }
0x8e: {  	[sflag:s0] =	ssyncadd.s32 @!p0 s1  }
0x8f: {  	[bflag:$0x3] =	sbarrier.arrive $0xFFFF  }
0x90: {  	_ =	shalt  }

</sc_bundles>
